<compile_context>
chip_gen: v7x
topology: tpu7x:2x2x1
jax: 0.10.2.dev20260603
libtpu: 0.0.44.dev20260713+nightly
codegen_flags: <defaults>
</compile_context>

<pallas_src>
import math

import jax
import jax.numpy as jnp
from jax.experimental import pallas as pl
from jax.experimental.pallas import tpu as pltpu

_PS = 16
_B = 64
_N = 1024
_PD = 256
_DIM = 256
_MAXM = math.ceil(0.15 * _N)


def _prep_body(rand_ref, rpp_ref, rep_ref, rp_ref, pos_ref, wt_ref, bt_ref,
               wb_ref, bb_ref, wc_ref, c_ref, src_ref):
    wc = jax.lax.dot(wt_ref[...], wb_ref[...], preferred_element_type=jnp.float32)
    wc_ref[...] = wc
    base = jax.lax.dot(bt_ref[...], wb_ref[...], preferred_element_type=jnp.float32) + bb_ref[...]
    c_ref[...] = jax.lax.dot(pos_ref[...], wc, preferred_element_type=jnp.float32) + base

    r = rand_ref[...]

    def bs(_, carry):
        lo, hi = carry
        mid = 0.5 * (lo + hi)
        cnt = jnp.sum((r > mid).astype(jnp.float32), axis=1, keepdims=True)
        ge = cnt >= _MAXM
        return jnp.where(ge, mid, lo), jnp.where(ge, hi, mid)

    lo, _ = jax.lax.fori_loop(
        0, 30, bs, (jnp.zeros((_B, 1), jnp.float32), jnp.ones((_B, 1), jnp.float32)))
    maskb = r > lo
    bmr = maskb & (rep_ref[...] != 0)
    brp = maskb & (rpp_ref[...] != 0)
    iot = jax.lax.broadcasted_iota(jnp.int32, (_B, _N), 1)
    src = jnp.where(brp, rp_ref[...], iot)
    src_ref[...] = jnp.where(bmr, _N, src)


def _main_body(p_ref, src_ref, tok_ref,
               s1_ref, b1_ref, we_ref, be_ref, s2_ref, b2_ref,
               wc_ref, c_ref, acc_ref):
    b = pl.program_id(0)
    P = p_ref[0]
    src2 = src_ref[pl.ds(b, 1), :]
    P_ext = jnp.concatenate([P, tok_ref[...]], axis=0)
    i0 = jax.lax.broadcasted_iota(jnp.int32, (_N + 1, _N), 0)
    St = (i0 == src2).astype(jnp.float32)
    masked = jax.lax.dot_general(St, P_ext, (((0,), (0,)), ((), ())),
                                 preferred_element_type=jnp.float32)

    mu = jnp.mean(masked, axis=1, keepdims=True)
    xm = masked - mu
    var = jnp.mean(xm * xm, axis=1, keepdims=True)
    xh = xm * jax.lax.rsqrt(var + 1e-5) * s1_ref[...] + b1_ref[...]
    x = jax.lax.dot(xh, we_ref[...], preferred_element_type=jnp.float32) + be_ref[...]
    mu2 = jnp.mean(x, axis=1, keepdims=True)
    xm2 = x - mu2
    var2 = jnp.mean(xm2 * xm2, axis=1, keepdims=True)
    xe = xm2 * jax.lax.rsqrt(var2 + 1e-5) * s2_ref[...] + b2_ref[...]
    resid = jax.lax.dot(xe, wc_ref[...], preferred_element_type=jnp.float32) + c_ref[...] - P
    ssq = jnp.reshape(jnp.sum(resid * resid), (1, 1))

    prev = jnp.where(b == 0, jnp.zeros((1, 1), jnp.float32), acc_ref[...])
    tot = prev + ssq
    acc_ref[...] = jnp.where(b == _B - 1, tot * (1.0 / (_B * _N * _PD)), tot)


def kernel(input, mask_token, ln1_s, ln1_b, W_embed, b_embed, ln2_s, ln2_b,
           cls_token, pos_embedding, W_t, b_t, W_bits, b_bits):
    B, H, W = input.shape
    hh, ww = H // _PS, W // _PS
    n = hh * ww

    patches = input.reshape(B, hh, _PS, ww, _PS).transpose(0, 1, 3, 2, 4).reshape(B, n, _PS * _PS)

    mk = jax.random.key(1)
    k1, k2, k3, k4 = jax.random.split(mk, 4)
    rand = jax.random.uniform(k1, (B, n))
    rps_prob = 0.5 / (1.0 - 0.5)
    rpp = (jax.random.uniform(k2, (B, n)) < rps_prob).astype(jnp.int32)
    rp = jax.random.randint(k3, (B, n), 0, n).astype(jnp.int32)
    rep = (jax.random.uniform(k4, (B, n)) < 0.5).astype(jnp.int32)

    pos_rows = pos_embedding[0, 1:n + 1, :]
    bt2 = b_t.reshape(1, _DIM)
    bb2 = b_bits.reshape(1, _PD)
    wc, c_rows, src = pl.pallas_call(
        _prep_body,
        out_shape=(jax.ShapeDtypeStruct((_DIM, _PD), jnp.float32),
                   jax.ShapeDtypeStruct((n, _PD), jnp.float32),
                   jax.ShapeDtypeStruct((B, n), jnp.int32)),
    )(rand, rpp, rep, rp, pos_rows, W_t, bt2, W_bits, bb2)

    tok = mask_token.reshape(1, _PD)
    s1 = ln1_s.reshape(1, _PD)
    b1 = ln1_b.reshape(1, _PD)
    be = b_embed.reshape(1, _DIM)
    s2 = ln2_s.reshape(1, _DIM)
    b2 = ln2_b.reshape(1, _DIM)

    full = lambda shape: pl.BlockSpec(shape, lambda b: tuple(0 for _ in shape))
    acc = pl.pallas_call(
        _main_body,
        grid=(B,),
        in_specs=[
            pl.BlockSpec((1, n, _PD), lambda b: (b, 0, 0)),
            full((B, n)),
            full((1, _PD)), full((1, _PD)), full((1, _PD)),
            full((_PD, _DIM)), full((1, _DIM)), full((1, _DIM)), full((1, _DIM)),
            full((_DIM, _PD)), full((n, _PD)),
        ],
        out_specs=pl.BlockSpec((1, 1), lambda b: (0, 0)),
        out_shape=jax.ShapeDtypeStruct((1, 1), jnp.float32),
        compiler_params=pltpu.CompilerParams(
            dimension_semantics=("arbitrary",)),
    )(patches, src, tok,
      s1, b1, W_embed, be, s2, b2, wc, c_rows)
    return acc[0, 0]

# --- scband reference (transcript-rebuilt; emitter-appended) ---
"""Pipeline reference for scband-mpp-54700703482159 (READ-ONLY COPY).

The authoritative reference and input builder live on the scoring server;
editing this copy changes nothing except your own understanding.
"""

import math
import jax, jax.numpy as jnp
import numpy as np


def _ln(x, s, b):
    m = x.mean(-1, keepdims=True)
    v = x.var(-1, keepdims=True)
    return (x - m) / jnp.sqrt(v + 1e-5) * s + b


def setup_inputs(seed: int = 0) -> dict:
    key = jax.random.key(seed)
    ks = jax.random.split(key, 8)
    B, H, W, p, dim = 64, 512, 512, 16, 256
    n = (H // p) * (W // p)
    pd = p * p
    inp = {}
    inp["input"] = jax.random.normal(ks[0], (B, H, W), dtype=jnp.float32)
    inp["mask_token"] = jax.random.normal(ks[1], (1, 1, pd), dtype=jnp.float32)
    inp["ln1_s"] = jnp.ones((pd,), dtype=jnp.float32)
    inp["ln1_b"] = jnp.zeros((pd,), dtype=jnp.float32)
    inp["W_embed"] = jax.random.normal(ks[2], (pd, dim), dtype=jnp.float32) * 0.02
    inp["b_embed"] = jnp.zeros((dim,), dtype=jnp.float32)
    inp["ln2_s"] = jnp.ones((dim,), dtype=jnp.float32)
    inp["ln2_b"] = jnp.zeros((dim,), dtype=jnp.float32)
    inp["cls_token"] = jax.random.normal(ks[3], (1, 1, dim), dtype=jnp.float32) * 0.02
    inp["pos_embedding"] = jax.random.normal(ks[4], (1, n + 1, dim), dtype=jnp.float32) * 0.02
    inp["W_t"] = jax.random.normal(ks[5], (dim, dim), dtype=jnp.float32) * 0.02
    inp["b_t"] = jnp.zeros((dim,), dtype=jnp.float32)
    inp["W_bits"] = jax.random.normal(ks[6], (dim, pd), dtype=jnp.float32) * 0.02
    inp["b_bits"] = jnp.zeros((pd,), dtype=jnp.float32)
    return inp


def reference(input, mask_token, ln1_s, ln1_b, W_embed, b_embed, ln2_s, ln2_b,
              cls_token, pos_embedding, W_t, b_t, W_bits, b_bits):
    p = 16
    B, H, W = input.shape
    hh, ww = H // p, W // p
    n = hh * ww
    # crop to (image_height, image_width) and Normalize(mean=0, std=1) are identity here;
    # stochastic image_augmentation is modeled as identity (pure data augmentation noise).
    img = input
    # rearrange 'b (h p1) (w p2) -> b (h w) (p1 p2)'
    patches = input.reshape(B, hh, p, ww, p).transpose(0, 1, 3, 2, 4).reshape(B, n, p * p)
    target = img.reshape(B, hh, p, ww, p).transpose(0, 1, 3, 2, 4).reshape(B, n, p * p)
    mask_prob, replace_prob_v, random_patch_prob_v = 0.15, 0.5, 0.5
    mk = jax.random.key(1)
    k1, k2, k3, k4 = jax.random.split(mk, 4)
    # get_mask_subset_with_prob: rand -> top_k -> scatter ones
    max_masked = math.ceil(mask_prob * n)
    rand = jax.random.uniform(k1, (B, n))
    _, sampled_indices = jax.lax.top_k(rand, max_masked)
    new_mask = jnp.zeros((B, n), dtype=jnp.float32).at[jnp.arange(B)[:, None], sampled_indices].set(1.0)
    mask = new_mask.astype(bool)
    masked_input = patches
    # random patch replacement
    rps_prob = random_patch_prob_v / (1.0 - replace_prob_v)
    random_patch_prob = jax.random.uniform(k2, (B, n)) < rps_prob
    bool_random_patch_prob = mask & random_patch_prob
    random_patches = jax.random.randint(k3, (B, n), 0, n)
    randomized_input = masked_input[jnp.arange(B)[:, None], random_patches]
    masked_input = jnp.where(bool_random_patch_prob[..., None], randomized_input, masked_input)
    # mask token replacement
    replace_prob = jax.random.uniform(k4, (B, n)) < replace_prob_v
    bool_mask_replace = mask & replace_prob
    masked_input = jnp.where(bool_mask_replace[..., None], mask_token, masked_input)
    # transformer.to_patch_embedding[1:4] = LayerNorm(patch_dim), Linear(patch_dim, dim), LayerNorm(dim)
    x = _ln(masked_input, ln1_s, ln1_b)
    x = x @ W_embed + b_embed
    x = _ln(x, ln2_s, ln2_b)
    cls = jnp.broadcast_to(cls_token, (B, 1, cls_token.shape[-1]))
    x = jnp.concatenate([cls, x], axis=1)
    x = x + pos_embedding[:, :n + 1]
    # transformer body (dependency-injected module) modeled as a single linear layer
    x = x @ W_t + b_t
    cls_logits = x @ W_bits + b_bits
    logits = cls_logits[:, 1:, :]
    # rearrange to image layout and back to patches is an exact identity round-trip
    loss = jnp.mean((logits - target) ** 2)
    return loss

if __name__ == "__main__":
    import jax
    _d = setup_inputs()
    print(jax.jit(kernel)(*tuple(_d.values())))

</pallas_src>

<mosaic_0001>
module attributes {stable_mosaic.version = 14 : i64} {
  func.func @_prep_body(%arg0: memref<64x1024xf32, #tpu.memory_space<vmem>>, %arg1: memref<64x1024xi32, #tpu.memory_space<vmem>>, %arg2: memref<64x1024xi32, #tpu.memory_space<vmem>>, %arg3: memref<64x1024xi32, #tpu.memory_space<vmem>>, %arg4: memref<1024x256xf32, #tpu.memory_space<vmem>>, %arg5: memref<256x256xf32, #tpu.memory_space<vmem>>, %arg6: memref<1x256xf32, #tpu.memory_space<vmem>>, %arg7: memref<256x256xf32, #tpu.memory_space<vmem>>, %arg8: memref<1x256xf32, #tpu.memory_space<vmem>>, %arg9: memref<256x256xf32, #tpu.memory_space<vmem>>, %arg10: memref<1024x256xf32, #tpu.memory_space<vmem>>, %arg11: memref<64x1024xi32, #tpu.memory_space<vmem>>) attributes {dimension_semantics = [], scalar_prefetch = 0 : i64, scratch_operands = 0 : i64, tpu.core_type = #tpu.core_type<tc>} {
    %get3A = arith.constant 0 : index
    %get3A_0 = arith.constant 0 : index
    %get3A_1 = vector.load %arg5[%get3A, %get3A_0] : memref<256x256xf32, #tpu.memory_space<vmem>>, vector<256x256xf32>
    %get3A_2 = arith.constant 0 : index
    %get3A_3 = arith.constant 0 : index
    %get3A_4 = vector.load %arg7[%get3A_2, %get3A_3] : memref<256x256xf32, #tpu.memory_space<vmem>>, vector<256x256xf32>
    %dot_general3A = arith.constant dense<0.000000e+00> : vector<256x256xf32>
    %dot_general3A_5 = tpu.matmul %get3A_1, %get3A_4, %dot_general3A {dimension_numbers = #tpu.dot_dimension_numbers<[1], [0], [0], [1], [0, 0, 1, 1], [], []>, transpose_lhs_hint = false} : vector<256x256xf32>, vector<256x256xf32>, vector<256x256xf32> -> vector<256x256xf32>
    %swap3A = arith.constant 0 : index
    %swap3A_6 = arith.constant 0 : index
    %swap3A_7 = vector.load %arg9[%swap3A, %swap3A_6] : memref<256x256xf32, #tpu.memory_space<vmem>>, vector<256x256xf32>
    tpu.vector_store %arg9[%swap3A, %swap3A_6], %dot_general3A_5 {strides = array<i32>} : memref<256x256xf32, #tpu.memory_space<vmem>>, vector<256x256xf32>,
    %get3A_8 = arith.constant 0 : index
    %get3A_9 = arith.constant 0 : index
    %get3A_10 = vector.load %arg6[%get3A_8, %get3A_9] : memref<1x256xf32, #tpu.memory_space<vmem>>, vector<1x256xf32>
    %get3A_11 = arith.constant 0 : index
    %get3A_12 = arith.constant 0 : index
    %get3A_13 = vector.load %arg7[%get3A_11, %get3A_12] : memref<256x256xf32, #tpu.memory_space<vmem>>, vector<256x256xf32>
    %dot_general3A_14 = arith.constant dense<0.000000e+00> : vector<1x256xf32>
    %dot_general3A_15 = tpu.matmul %get3A_10, %get3A_13, %dot_general3A_14 {dimension_numbers = #tpu.dot_dimension_numbers<[1], [0], [0], [1], [0, 0, 1, 1], [], []>, transpose_lhs_hint = false} : vector<1x256xf32>, vector<256x256xf32>, vector<1x256xf32> -> vector<1x256xf32>
    %get3A_16 = arith.constant 0 : index
    %get3A_17 = arith.constant 0 : index
    %get3A_18 = vector.load %arg8[%get3A_16, %get3A_17] : memref<1x256xf32, #tpu.memory_space<vmem>>, vector<1x256xf32>
    %add3A = arith.addf %dot_general3A_15, %get3A_18 : vector<1x256xf32>
    %get3A_19 = arith.constant 0 : index
    %get3A_20 = arith.constant 0 : index
    %get3A_21 = vector.load %arg4[%get3A_19, %get3A_20] : memref<1024x256xf32, #tpu.memory_space<vmem>>, vector<1024x256xf32>
    %dot_general3A_22 = arith.constant dense<0.000000e+00> : vector<1024x256xf32>
    %dot_general3A_23 = tpu.matmul %get3A_21, %dot_general3A_5, %dot_general3A_22 {dimension_numbers = #tpu.dot_dimension_numbers<[1], [0], [0], [1], [0, 0, 1, 1], [], []>, transpose_lhs_hint = false} : vector<1024x256xf32>, vector<256x256xf32>, vector<1024x256xf32> -> vector<1024x256xf32>
    %add3A_24 = vector.broadcast %add3A : vector<1x256xf32> to vector<1024x256xf32>
    %add3A_25 = arith.addf %dot_general3A_23, %add3A_24 : vector<1024x256xf32>
    %swap3A_26 = arith.constant 0 : index
    %swap3A_27 = arith.constant 0 : index
    %swap3A_28 = vector.load %arg10[%swap3A_26, %swap3A_27] : memref<1024x256xf32, #tpu.memory_space<vmem>>, vector<1024x256xf32>
    tpu.vector_store %arg10[%swap3A_26, %swap3A_27], %add3A_25 {strides = array<i32>} : memref<1024x256xf32, #tpu.memory_space<vmem>>, vector<1024x256xf32>,
    %get3A_29 = arith.constant 0 : index
    %get3A_30 = arith.constant 0 : index
    %get3A_31 = vector.load %arg0[%get3A_29, %get3A_30] : memref<64x1024xf32, #tpu.memory_space<vmem>>, vector<64x1024xf32>
    %broadcast_in_dim3A = arith.constant 0.000000e+00 : f32
    %broadcast_in_dim3A_32 = vector.broadcast %broadcast_in_dim3A : f32 to vector<64x1xf32>
    %broadcast_in_dim3A_33 = arith.constant 1.000000e+00 : f32
    %broadcast_in_dim3A_34 = vector.broadcast %broadcast_in_dim3A_33 : f32 to vector<64x1xf32>
    %scan3A = arith.constant 0 : i32
    %scan3A_35 = arith.constant 30 : i32
    %scan3A_36 = arith.addi %scan3A, %scan3A_35 : i32
    %scan3A_37 = arith.constant 1 : i32
    %scan3A_38:2 = scf.for %scan3A_60 = %scan3A to %scan3A_36 step %scan3A_37 iter_args(%scan3A_61 = %broadcast_in_dim3A_32, %scan3A_62 = %broadcast_in_dim3A_34) -> (vector<64x1xf32>, vector<64x1xf32>)  : i32 {
      %add3A_63 = arith.addf %scan3A_61, %scan3A_62 : vector<64x1xf32>
      %mul3A = arith.constant 5.000000e-01 : f32
      %mul3A_64 = vector.broadcast %mul3A : f32 to vector<64x1xf32>
      %mul3A_65 = arith.mulf %mul3A_64, %add3A_63 : vector<64x1xf32>
      %gt3A_66 = vector.broadcast %mul3A_65 : vector<64x1xf32> to vector<64x1024xf32>
      %gt3A_67 = arith.cmpf ogt, %get3A_31, %gt3A_66 : vector<64x1024xf32>
      %convert_element_type3A = arith.extui %gt3A_67 : vector<64x1024xi1> to vector<64x1024xi32>
      %convert_element_type3A_68 = arith.sitofp %convert_element_type3A : vector<64x1024xi32> to vector<64x1024xf32>
      %reduce_sum3A = arith.constant dense<0.000000e+00> : vector<64xf32>
      %reduce_sum3A_69 = vector.multi_reduction <add>, %convert_element_type3A_68, %reduce_sum3A [1] : vector<64x1024xf32> to vector<64xf32>
      %broadcast_in_dim3A_70 = vector.shape_cast %reduce_sum3A_69 : vector<64xf32> to vector<64x1xf32>
      %ge3A = arith.constant 1.540000e+02 : f32
      %ge3A_71 = vector.broadcast %ge3A : f32 to vector<64x1xf32>
      %ge3A_72 = arith.cmpf oge, %broadcast_in_dim3A_70, %ge3A_71 : vector<64x1xf32>
      %select_n3A_73 = arith.select %ge3A_72, %mul3A_65, %scan3A_61 : vector<64x1xi1>, vector<64x1xf32>
      %select_n3A_74 = arith.select %ge3A_72, %scan3A_62, %mul3A_65 : vector<64x1xi1>, vector<64x1xf32>
      scf.yield %select_n3A_73, %select_n3A_74 : vector<64x1xf32>, vector<64x1xf32>
    }
    %gt3A = vector.broadcast %scan3A_38#0 : vector<64x1xf32> to vector<64x1024xf32>
    %gt3A_39 = arith.cmpf ogt, %get3A_31, %gt3A : vector<64x1024xf32>
    %get3A_40 = arith.constant 0 : index
    %get3A_41 = arith.constant 0 : index
    %get3A_42 = vector.load %arg2[%get3A_40, %get3A_41] : memref<64x1024xi32, #tpu.memory_space<vmem>>, vector<64x1024xi32>
    %ne3A = arith.constant 0 : i32
    %ne3A_43 = vector.broadcast %ne3A : i32 to vector<64x1024xi32>
    %ne3A_44 = arith.cmpi ne, %get3A_42, %ne3A_43 : vector<64x1024xi32>
    %and3A = arith.andi %gt3A_39, %ne3A_44 : vector<64x1024xi1>
    %get3A_45 = arith.constant 0 : index
    %get3A_46 = arith.constant 0 : index
    %get3A_47 = vector.load %arg1[%get3A_45, %get3A_46] : memref<64x1024xi32, #tpu.memory_space<vmem>>, vector<64x1024xi32>
    %ne3A_48 = arith.constant 0 : i32
    %ne3A_49 = vector.broadcast %ne3A_48 : i32 to vector<64x1024xi32>
    %ne3A_50 = arith.cmpi ne, %get3A_47, %ne3A_49 : vector<64x1024xi32>
    %and3A_51 = arith.andi %gt3A_39, %ne3A_50 : vector<64x1024xi1>
    %iota3A = tpu.iota {dimensions = array<i32: 1>} : vector<64x1024xi32>
    %get3A_52 = arith.constant 0 : index
    %get3A_53 = arith.constant 0 : index
    %get3A_54 = vector.load %arg3[%get3A_52, %get3A_53] : memref<64x1024xi32, #tpu.memory_space<vmem>>, vector<64x1024xi32>
    %select_n3A = arith.select %and3A_51, %get3A_54, %iota3A : vector<64x1024xi1>, vector<64x1024xi32>
    %jit3A = arith.constant 1024 : i32
    %broadcast_in_dim3A_55 = vector.broadcast %jit3A : i32 to vector<64x1024xi32>
    %select_n3A_56 = arith.select %and3A, %broadcast_in_dim3A_55, %select_n3A : vector<64x1024xi1>, vector<64x1024xi32>
    %swap3A_57 = arith.constant 0 : index
    %swap3A_58 = arith.constant 0 : index
    %swap3A_59 = vector.load %arg11[%swap3A_57, %swap3A_58] : memref<64x1024xi32, #tpu.memory_space<vmem>>, vector<64x1024xi32>
    tpu.vector_store %arg11[%swap3A_57, %swap3A_58], %select_n3A_56 {strides = array<i32>} : memref<64x1024xi32, #tpu.memory_space<vmem>>, vector<64x1024xi32>,
    return
  }
}

module attributes {stable_mosaic.version = 14 : i64} {
  func.func @_main_body(%arg0: i32, %arg1: memref<1x1024x256xf32, #tpu.memory_space<vmem>>, %arg2: memref<64x1024xi32, #tpu.memory_space<vmem>>, %arg3: memref<1x256xf32, #tpu.memory_space<vmem>>, %arg4: memref<1x256xf32, #tpu.memory_space<vmem>>, %arg5: memref<1x256xf32, #tpu.memory_space<vmem>>, %arg6: memref<256x256xf32, #tpu.memory_space<vmem>>, %arg7: memref<1x256xf32, #tpu.memory_space<vmem>>, %arg8: memref<1x256xf32, #tpu.memory_space<vmem>>, %arg9: memref<1x256xf32, #tpu.memory_space<vmem>>, %arg10: memref<256x256xf32, #tpu.memory_space<vmem>>, %arg11: memref<1024x256xf32, #tpu.memory_space<vmem>>, %arg12: memref<1x1xf32, #tpu.memory_space<vmem>>) attributes {dimension_semantics = [#tpu.dimension_semantics<arbitrary>], iteration_bounds = array<i64: 64>, scalar_prefetch = 0 : i64, scratch_operands = 0 : i64, tpu.core_type = #tpu.core_type<tc>, window_params = [{transform_indices = @transform_0, window_bounds = array<i64: 1, 1024, 256>}, {pipeline_mode = #tpu.pipeline_mode<synchronous>, transform_indices = @transform_1, window_bounds = array<i64: 64, 1024>}, {pipeline_mode = #tpu.pipeline_mode<synchronous>, transform_indices = @transform_2, window_bounds = array<i64: 1, 256>}, {pipeline_mode = #tpu.pipeline_mode<synchronous>, transform_indices = @transform_3, window_bounds = array<i64: 1, 256>}, {pipeline_mode = #tpu.pipeline_mode<synchronous>, transform_indices = @transform_4, window_bounds = array<i64: 1, 256>}, {pipeline_mode = #tpu.pipeline_mode<synchronous>, transform_indices = @transform_5, window_bounds = array<i64: 256, 256>}, {pipeline_mode = #tpu.pipeline_mode<synchronous>, transform_indices = @transform_6, window_bounds = array<i64: 1, 256>}, {pipeline_mode = #tpu.pipeline_mode<synchronous>, transform_indices = @transform_7, window_bounds = array<i64: 1, 256>}, {pipeline_mode = #tpu.pipeline_mode<synchronous>, transform_indices = @transform_8, window_bounds = array<i64: 1, 256>}, {pipeline_mode = #tpu.pipeline_mode<synchronous>, transform_indices = @transform_9, window_bounds = array<i64: 256, 256>}, {pipeline_mode = #tpu.pipeline_mode<synchronous>, transform_indices = @transform_10, window_bounds = array<i64: 1024, 256>}, {pipeline_mode = #tpu.pipeline_mode<synchronous>, transform_indices = @transform_11, window_bounds = array<i64: 1, 1>}]} {
    %get3A = arith.constant 0 : index
    %get3A_0 = arith.constant 0 : index
    %get3A_1 = arith.constant 0 : index
    %get3A_2 = vector.load %arg1[%get3A, %get3A_0, %get3A_1] : memref<1x1024x256xf32, #tpu.memory_space<vmem>>, vector<1x1024x256xf32>
    %get3A_3 = vector.shape_cast %get3A_2 : vector<1x1024x256xf32> to vector<1024x256xf32>
    %get3A_4 = arith.index_cast %arg0 : i32 to index
    %get3A_5 = arith.constant 0 : index
    %get3A_6 = vector.load %arg2[%get3A_4, %get3A_5] : memref<64x1024xi32, #tpu.memory_space<vmem>>, vector<1x1024xi32>
    %get3A_7 = arith.constant 0 : index
    %get3A_8 = arith.constant 0 : index
    %get3A_9 = vector.load %arg3[%get3A_7, %get3A_8] : memref<1x256xf32, #tpu.memory_space<vmem>>, vector<1x256xf32>
    %concatenate3A = tpu.concatenate %get3A_3, %get3A_9 in 0 : vector<1024x256xf32>, vector<1x256xf32> -> vector<1025x256xf32>
    %iota3A = tpu.iota {dimensions = array<i32: 0>} : vector<1025x1024xi32>
    %eq3A = vector.broadcast %get3A_6 : vector<1x1024xi32> to vector<1025x1024xi32>
    %eq3A_10 = arith.cmpi eq, %iota3A, %eq3A : vector<1025x1024xi32>
    %convert_element_type3A = arith.extui %eq3A_10 : vector<1025x1024xi1> to vector<1025x1024xi32>
    %convert_element_type3A_11 = arith.sitofp %convert_element_type3A : vector<1025x1024xi32> to vector<1025x1024xf32>
    %dot_general3A = arith.constant dense<0.000000e+00> : vector<1024x256xf32>
    %dot_general3A_12 = tpu.matmul %convert_element_type3A_11, %concatenate3A, %dot_general3A {dimension_numbers = #tpu.dot_dimension_numbers<[0], [0], [1], [1], [0, 1, 1, 1], [], []>, transpose_lhs_hint = false} : vector<1025x1024xf32>, vector<1025x256xf32>, vector<1024x256xf32> -> vector<1024x256xf32>
    %reduce_sum3A = arith.constant dense<0.000000e+00> : vector<1024xf32>
    %reduce_sum3A_13 = vector.multi_reduction <add>, %dot_general3A_12, %reduce_sum3A [1] : vector<1024x256xf32> to vector<1024xf32>
    %broadcast_in_dim3A = vector.shape_cast %reduce_sum3A_13 : vector<1024xf32> to vector<1024x1xf32>
    %div3A = arith.constant 2.560000e+02 : f32
    %div3A_14 = vector.broadcast %div3A : f32 to vector<1024x1xf32>
    %div3A_15 = arith.divf %broadcast_in_dim3A, %div3A_14 : vector<1024x1xf32>
    %sub3A = vector.broadcast %div3A_15 : vector<1024x1xf32> to vector<1024x256xf32>
    %sub3A_16 = arith.subf %dot_general3A_12, %sub3A : vector<1024x256xf32>
    %mul3A = arith.mulf %sub3A_16, %sub3A_16 : vector<1024x256xf32>
    %reduce_sum3A_17 = arith.constant dense<0.000000e+00> : vector<1024xf32>
    %reduce_sum3A_18 = vector.multi_reduction <add>, %mul3A, %reduce_sum3A_17 [1] : vector<1024x256xf32> to vector<1024xf32>
    %broadcast_in_dim3A_19 = vector.shape_cast %reduce_sum3A_18 : vector<1024xf32> to vector<1024x1xf32>
    %div3A_20 = arith.constant 2.560000e+02 : f32
    %div3A_21 = vector.broadcast %div3A_20 : f32 to vector<1024x1xf32>
    %div3A_22 = arith.divf %broadcast_in_dim3A_19, %div3A_21 : vector<1024x1xf32>
    %add3A = arith.constant 9.99999974E-6 : f32
    %add3A_23 = vector.broadcast %add3A : f32 to vector<1024x1xf32>
    %add3A_24 = arith.addf %div3A_22, %add3A_23 : vector<1024x1xf32>
    %rsqrt3A = math.rsqrt %add3A_24 : vector<1024x1xf32>
    %mul3A_25 = vector.broadcast %rsqrt3A : vector<1024x1xf32> to vector<1024x256xf32>
    %mul3A_26 = arith.mulf %sub3A_16, %mul3A_25 : vector<1024x256xf32>
    %get3A_27 = arith.constant 0 : index
    %get3A_28 = arith.constant 0 : index
    %get3A_29 = vector.load %arg4[%get3A_27, %get3A_28] : memref<1x256xf32, #tpu.memory_space<vmem>>, vector<1x256xf32>
    %mul3A_30 = vector.broadcast %get3A_29 : vector<1x256xf32> to vector<1024x256xf32>
    %mul3A_31 = arith.mulf %mul3A_26, %mul3A_30 : vector<1024x256xf32>
    %get3A_32 = arith.constant 0 : index
    %get3A_33 = arith.constant 0 : index
    %get3A_34 = vector.load %arg5[%get3A_32, %get3A_33] : memref<1x256xf32, #tpu.memory_space<vmem>>, vector<1x256xf32>
    %add3A_35 = vector.broadcast %get3A_34 : vector<1x256xf32> to vector<1024x256xf32>
    %add3A_36 = arith.addf %mul3A_31, %add3A_35 : vector<1024x256xf32>
    %get3A_37 = arith.constant 0 : index
    %get3A_38 = arith.constant 0 : index
    %get3A_39 = vector.load %arg6[%get3A_37, %get3A_38] : memref<256x256xf32, #tpu.memory_space<vmem>>, vector<256x256xf32>
    %dot_general3A_40 = arith.constant dense<0.000000e+00> : vector<1024x256xf32>
    %dot_general3A_41 = tpu.matmul %add3A_36, %get3A_39, %dot_general3A_40 {dimension_numbers = #tpu.dot_dimension_numbers<[1], [0], [0], [1], [0, 0, 1, 1], [], []>, transpose_lhs_hint = false} : vector<1024x256xf32>, vector<256x256xf32>, vector<1024x256xf32> -> vector<1024x256xf32>
    %get3A_42 = arith.constant 0 : index
    %get3A_43 = arith.constant 0 : index
    %get3A_44 = vector.load %arg7[%get3A_42, %get3A_43] : memref<1x256xf32, #tpu.memory_space<vmem>>, vector<1x256xf32>
    %add3A_45 = vector.broadcast %get3A_44 : vector<1x256xf32> to vector<1024x256xf32>
    %add3A_46 = arith.addf %dot_general3A_41, %add3A_45 : vector<1024x256xf32>
    %reduce_sum3A_47 = arith.constant dense<0.000000e+00> : vector<1024xf32>
    %reduce_sum3A_48 = vector.multi_reduction <add>, %add3A_46, %reduce_sum3A_47 [1] : vector<1024x256xf32> to vector<1024xf32>
    %broadcast_in_dim3A_49 = vector.shape_cast %reduce_sum3A_48 : vector<1024xf32> to vector<1024x1xf32>
    %div3A_50 = arith.constant 2.560000e+02 : f32
    %div3A_51 = vector.broadcast %div3A_50 : f32 to vector<1024x1xf32>
    %div3A_52 = arith.divf %broadcast_in_dim3A_49, %div3A_51 : vector<1024x1xf32>
    %sub3A_53 = vector.broadcast %div3A_52 : vector<1024x1xf32> to vector<1024x256xf32>
    %sub3A_54 = arith.subf %add3A_46, %sub3A_53 : vector<1024x256xf32>
    %mul3A_55 = arith.mulf %sub3A_54, %sub3A_54 : vector<1024x256xf32>
    %reduce_sum3A_56 = arith.constant dense<0.000000e+00> : vector<1024xf32>
    %reduce_sum3A_57 = vector.multi_reduction <add>, %mul3A_55, %reduce_sum3A_56 [1] : vector<1024x256xf32> to vector<1024xf32>
    %broadcast_in_dim3A_58 = vector.shape_cast %reduce_sum3A_57 : vector<1024xf32> to vector<1024x1xf32>
    %div3A_59 = arith.constant 2.560000e+02 : f32
    %div3A_60 = vector.broadcast %div3A_59 : f32 to vector<1024x1xf32>
    %div3A_61 = arith.divf %broadcast_in_dim3A_58, %div3A_60 : vector<1024x1xf32>
    %add3A_62 = arith.constant 9.99999974E-6 : f32
    %add3A_63 = vector.broadcast %add3A_62 : f32 to vector<1024x1xf32>
    %add3A_64 = arith.addf %div3A_61, %add3A_63 : vector<1024x1xf32>
    %rsqrt3A_65 = math.rsqrt %add3A_64 : vector<1024x1xf32>
    %mul3A_66 = vector.broadcast %rsqrt3A_65 : vector<1024x1xf32> to vector<1024x256xf32>
    %mul3A_67 = arith.mulf %sub3A_54, %mul3A_66 : vector<1024x256xf32>
    %get3A_68 = arith.constant 0 : index
    %get3A_69 = arith.constant 0 : index
    %get3A_70 = vector.load %arg8[%get3A_68, %get3A_69] : memref<1x256xf32, #tpu.memory_space<vmem>>, vector<1x256xf32>
    %mul3A_71 = vector.broadcast %get3A_70 : vector<1x256xf32> to vector<1024x256xf32>
    %mul3A_72 = arith.mulf %mul3A_67, %mul3A_71 : vector<1024x256xf32>
    %get3A_73 = arith.constant 0 : index
    %get3A_74 = arith.constant 0 : index
    %get3A_75 = vector.load %arg9[%get3A_73, %get3A_74] : memref<1x256xf32, #tpu.memory_space<vmem>>, vector<1x256xf32>
    %add3A_76 = vector.broadcast %get3A_75 : vector<1x256xf32> to vector<1024x256xf32>
    %add3A_77 = arith.addf %mul3A_72, %add3A_76 : vector<1024x256xf32>
    %get3A_78 = arith.constant 0 : index
    %get3A_79 = arith.constant 0 : index
    %get3A_80 = vector.load %arg10[%get3A_78, %get3A_79] : memref<256x256xf32, #tpu.memory_space<vmem>>, vector<256x256xf32>
    %dot_general3A_81 = arith.constant dense<0.000000e+00> : vector<1024x256xf32>
    %dot_general3A_82 = tpu.matmul %add3A_77, %get3A_80, %dot_general3A_81 {dimension_numbers = #tpu.dot_dimension_numbers<[1], [0], [0], [1], [0, 0, 1, 1], [], []>, transpose_lhs_hint = false} : vector<1024x256xf32>, vector<256x256xf32>, vector<1024x256xf32> -> vector<1024x256xf32>
    %get3A_83 = arith.constant 0 : index
    %get3A_84 = arith.constant 0 : index
    %get3A_85 = vector.load %arg11[%get3A_83, %get3A_84] : memref<1024x256xf32, #tpu.memory_space<vmem>>, vector<1024x256xf32>
    %add3A_86 = arith.addf %dot_general3A_82, %get3A_85 : vector<1024x256xf32>
    %sub3A_87 = arith.subf %add3A_86, %get3A_3 : vector<1024x256xf32>
    %mul3A_88 = arith.mulf %sub3A_87, %sub3A_87 : vector<1024x256xf32>
    %reduce_sum3A_89 = vector.shape_cast %mul3A_88 : vector<1024x256xf32> to vector<1x1024x256xf32>
    %reduce_sum3A_90 = arith.constant dense<0.000000e+00> : vector<1xf32>
    %reduce_sum3A_91 = vector.multi_reduction <add>, %reduce_sum3A_89, %reduce_sum3A_90 [1, 2] : vector<1x1024x256xf32> to vector<1xf32>
    %reduce_sum3A_92 = vector.shape_cast %reduce_sum3A_91 : vector<1xf32> to vector<1x1x1xf32>
    %reduce_sum3A_93 = vector.extract %reduce_sum3A_92[0, 0, 0] : f32 from vector<1x1x1xf32>
    %reshape3A = vector.broadcast %reduce_sum3A_93 : f32 to vector<1x1xf32>
    %eq3A_94 = arith.constant 0 : i32
    %eq3A_95 = arith.cmpi eq, %arg0, %eq3A_94 : i32
    %broadcast_in_dim3A_96 = arith.constant 0.000000e+00 : f32
    %broadcast_in_dim3A_97 = vector.broadcast %broadcast_in_dim3A_96 : f32 to vector<1x1xf32>
    %get3A_98 = arith.constant 0 : index
    %get3A_99 = arith.constant 0 : index
    %get3A_100 = vector.load %arg12[%get3A_98, %get3A_99] : memref<1x1xf32, #tpu.memory_space<vmem>>, vector<1x1xf32>
    %select_n3A = arith.select %eq3A_95, %broadcast_in_dim3A_97, %get3A_100 : vector<1x1xf32>
    %add3A_101 = arith.addf %select_n3A, %reshape3A : vector<1x1xf32>
    %eq3A_102 = arith.constant 63 : i32
    %eq3A_103 = arith.cmpi eq, %arg0, %eq3A_102 : i32
    %mul3A_104 = arith.constant 5.96046448E-8 : f32
    %mul3A_105 = vector.broadcast %mul3A_104 : f32 to vector<1x1xf32>
    %mul3A_106 = arith.mulf %add3A_101, %mul3A_105 : vector<1x1xf32>
    %select_n3A_107 = arith.select %eq3A_103, %mul3A_106, %add3A_101 : vector<1x1xf32>
    %swap3A = arith.constant 0 : index
    %swap3A_108 = arith.constant 0 : index
    %swap3A_109 = vector.load %arg12[%swap3A, %swap3A_108] : memref<1x1xf32, #tpu.memory_space<vmem>>, vector<1x1xf32>
    tpu.vector_store %arg12[%swap3A, %swap3A_108], %select_n3A_107 {strides = array<i32>} : memref<1x1xf32, #tpu.memory_space<vmem>>, vector<1x1xf32>,
    return
  }
  func.func @transform_0(%arg0: i32) -> (i32, i32, i32) {
    %c0_i32 = arith.constant 0 : i32
    %c0_i32_0 = arith.constant 0 : i32
    %c0_i32_1 = arith.constant 0 : i32
    return %arg0, %c0_i32, %c0_i32_0 : i32, i32, i32
  }
  func.func @transform_1(%arg0: i32) -> (i32, i32) {
    %c0_i32 = arith.constant 0 : i32
    %c0_i32_0 = arith.constant 0 : i32
    %c0_i32_1 = arith.constant 0 : i32
    return %c0_i32, %c0_i32_0 : i32, i32
  }
  func.func @transform_2(%arg0: i32) -> (i32, i32) {
    %c0_i32 = arith.constant 0 : i32
    %c0_i32_0 = arith.constant 0 : i32
    %c0_i32_1 = arith.constant 0 : i32
    return %c0_i32, %c0_i32_0 : i32, i32
  }
  func.func @transform_3(%arg0: i32) -> (i32, i32) {
    %c0_i32 = arith.constant 0 : i32
    %c0_i32_0 = arith.constant 0 : i32
    %c0_i32_1 = arith.constant 0 : i32
    return %c0_i32, %c0_i32_0 : i32, i32
  }
  func.func @transform_4(%arg0: i32) -> (i32, i32) {
    %c0_i32 = arith.constant 0 : i32
    %c0_i32_0 = arith.constant 0 : i32
    %c0_i32_1 = arith.constant 0 : i32
    return %c0_i32, %c0_i32_0 : i32, i32
  }
  func.func @transform_5(%arg0: i32) -> (i32, i32) {
    %c0_i32 = arith.constant 0 : i32
    %c0_i32_0 = arith.constant 0 : i32
    %c0_i32_1 = arith.constant 0 : i32
    return %c0_i32, %c0_i32_0 : i32, i32
  }
  func.func @transform_6(%arg0: i32) -> (i32, i32) {
    %c0_i32 = arith.constant 0 : i32
    %c0_i32_0 = arith.constant 0 : i32
    %c0_i32_1 = arith.constant 0 : i32
    return %c0_i32, %c0_i32_0 : i32, i32
  }
  func.func @transform_7(%arg0: i32) -> (i32, i32) {
    %c0_i32 = arith.constant 0 : i32
    %c0_i32_0 = arith.constant 0 : i32
    %c0_i32_1 = arith.constant 0 : i32
    return %c0_i32, %c0_i32_0 : i32, i32
  }
  func.func @transform_8(%arg0: i32) -> (i32, i32) {
    %c0_i32 = arith.constant 0 : i32
    %c0_i32_0 = arith.constant 0 : i32
    %c0_i32_1 = arith.constant 0 : i32
    return %c0_i32, %c0_i32_0 : i32, i32
  }
  func.func @transform_9(%arg0: i32) -> (i32, i32) {
    %c0_i32 = arith.constant 0 : i32
    %c0_i32_0 = arith.constant 0 : i32
    %c0_i32_1 = arith.constant 0 : i32
    return %c0_i32, %c0_i32_0 : i32, i32
  }
  func.func @transform_10(%arg0: i32) -> (i32, i32) {
    %c0_i32 = arith.constant 0 : i32
    %c0_i32_0 = arith.constant 0 : i32
    %c0_i32_1 = arith.constant 0 : i32
    return %c0_i32, %c0_i32_0 : i32, i32
  }
  func.func @transform_11(%arg0: i32) -> (i32, i32) {
    %c0_i32 = arith.constant 0 : i32
    %c0_i32_0 = arith.constant 0 : i32
    %c0_i32_1 = arith.constant 0 : i32
    return %c0_i32, %c0_i32_0 : i32, i32
  }
}

</mosaic_0001>

<sc_bundles>
// kernel: sparse-core-data-format-call.cloned.1.call-start
scs
called_computation_lowered:
.L_overlay_start_0:
0x0: {  	s1 =	sld [smem:$0x3FD9]  }
0x1: {  	s2 =	sld [smem:$0x3FFE];
	_ =	sdelay $0x1  }
0x2: {  	s3 =	srdreg.scid  }
0x3: {  	s0 =	sand.u32 $0x1, s3  }
0x4: {  	s17 =	sshll.u32 s0, $0xA;
	s1 =	sadd.s32 s2, s1  }
0x5: {  	s1 =	sadd.s32 s1, s17  }
0x6: {  	[smem:$0x3FBB] =	sst s1  }
0x7: {  	_ = 	snop  }
0x8: {  	(tm) =	ssettm $0x1  }
0x9: {  	s18 =	sld [smem:$0x3FFB];
	_ =	sdelay $0x3  }
0xa: {  	_ =	strace s18  }
0xb: {  	s1 =	sld [smem:$0x3FFC];
	_ =	sdelay $0x3  }
0xc: {  	_ =	strace s1  }
0xd: {  	s1 =	sld [smem:$0x3FFD];
	_ =	sdelay $0x3  }
0xe: {  	_ =	strace s1  }
0xf: {  	_ =	strace $0x8FFFFFFF  }
0x10: {  	s19 =	sld [smem:$0x3FDB];
	_ =	sdelay $0x1  }
0x11: {  	s20 =	simm.s32 $_scs_section_size  }
0x12: {  	s4 =	simm.s32 $_size__tile_overlayer_lowered;
	s5 =	simm.s32 $_tile_overlayer_lowered  }
0x13: {  	s23 =	simm.s32 $0x1BFF;
	s22 =	sshll.u32 s5, $0x1;
	s1 =	sadd.s32 s20, s19  }
0x14: {  	s6 =	simm.s32 $0x0;
	s21 =	sshll.u32 s4, $0x1;
	s4 =	sadd.s32 s22, s1  }
0x15: {  	[timem:s6], [sflag:s23] =	dma.local [hbm:s4], s21  }
0x16: {  	_ =	swait.ge [sflag:s23], s21  }
0x17: {  	s2 =	ssub.s32 $0x0, s21;
	[sflag:s23] =	ssyncset.done $0x0  }
0x18: {  	[sflag:s23] =	ssyncadd.s32 s2;
	_ =	sdelay $0x1  }
0x19: {  	s24 =	simm.s32 $0x1B8B  }
0x1a: {  	_ =	swait.ge [sflag:s24], $0x1  }
0x1b: {  	[sflag:s24] =	ssyncset.done $0x0  }
0x1c: {  	s26 =	simm.s32 $0x1B8E;
	s25 =	sld [smem:$0x3FFE];
	[sflag:s24] =	ssyncadd.s32 $0xFFFFFFFF  }
0x1d: {  	s27 =	simm.s32 $execute0_lowered;
	[smem:$0x3FD2] =	sst s26  }
0x1e: {  	s4 =	sshll.u32 s27, $0x1;
	_ =	strace $0x80000046;
	[dreg:$0x1] =	wrdreg $0xFFFFFFFF  }
0x1f: {  	s28 =	simm.s32 $_size_execute0_lowered;
	s1 =	sadd.s32 s1, s4;
	[dreg:$0x0] =	wrdreg $0x0  }
0x20: {  	s4 =	sshll.u32 s28, $0x1;
	[dreg:$0x2] =	wrdreg s1  }
0x21: {  	[dreg:$0x3] =	wrdreg s4  }
0x22: {  	[dreg:$0x4] =	wrdreg $0xC0  }
0x23: {  	_ =	task [dreg:s6], $0x5FFFF  }
0x24: {  	[dreg:$0x1] =	wrdreg $0xFFFFFFFF  }
0x25: {  	[dreg:$0x0] =	wrdreg $0x60  }
0x26: {  	[dreg:$0x2] =	wrdreg s25  }
0x27: {  	[dreg:$0x3] =	wrdreg $0x9  }
0x28: {  	_ =	task.clear_ibuf [dreg:s6], $0x4FFFF;
	_ =	strace $0x90000046  }
0x29: {  	s29 =	simm.s32 $0x9;
	_ =	strace $0x80000048  }
0x2a: {  	_ =	swait.ge [sflag:s29], $0x1  }
0x2b: {  	[sflag:s29] =	ssyncadd.s32 $0xFFFFFFFF  }
0x2c: {  	_ =	strace $0x90000048  }
0x2d: {  	_ =	sfence  }
0x2e: {  	s30 =	sld [smem:$0x0];
	_ =	sdelay $0x2  }
0x2f: {  	s31 =	sshll.u32 s3, $0xD;
	s3 =	sshrl.u32 s3, $0x2  }
0x30: {  	s2 =	sand.u32 $0x4000, s31;
	s1 =	sadd.s32 s3, s30  }
0x31: {  	s0 =	sor.u32 s2, s0;
	s1 =	sshll.u32 s1, $0x11  }
0x32: {  	s0 =	sor.u32 s1, s0  }
0x33: {  	s0 =	sadd.s32 $0x8F2B, s0  }
0x34: {  	[sflag:s0] =	ssyncadd.remote.s32 $0x1  }
0x35: {  	_ =	sfence.sel $0xFFFF  }
0x36: {  	[dreg:$0x0] =	wrdreg $0xFFFFFFFF;
	(pc) =	sbr.abs _section_cstart, $3  }
0x37: {  	[dreg:$0x1] =	wrdreg $0xFFFFFFFF  }
0x38: {  	_ =	task.clear_ibuf [dreg:s6], $0x2FFFF;
	_ =	strace $0x9FFFFFFF  }
0x39: {  	(tm) =	ssettm $0x7FFFFFFF  }
tec
execute0_lowered:
.L_overlay_start_1:
0x0: {  	(tag) =	ssettag $0x1  }
0x1: {  	s0 =	rddreg [dreg:$0x0]  }
0x2: {  	s1 =	stileid.u32;
	s2 =	srdreg.scid  }
0x3: {  	_ =	strace $0x80000047;
	s6 =	simm.s32 $0x1;
	s9 =	simm.s32 $0x2  }
0x4: {  	s22 =	simm.s32 $0x0;
	s24 =	simm.s32 $0x0;
	s25 =	simm.s32 $0x0  }
0x5: {  	s26 =	simm.s32 $0x0;
	s18 =	simm.s32 $0x0;
	s19 =	simm.s32 $0x0  }
0x6: {  	s23 =	simm.s32 $0x0;
	s2 =	sshll.u32 s2, $0x4;
	s3 =	sshll.u32 s1, $0x3  }
0x7: {  	[sflag:s6] =	ssyncpa.u1 $0x0;
	s10 =	sadd.s32 $0x62E00, s0;
	s11 =	sadd.s32 $0x82E00, s0  }
0x8: {  	s12 =	sadd.s32 $0xA2E00, s0;
	s4 =	sand.u32 $0x10, s2;
	s2 =	sand.u32 $0x18, s3  }
0x9: {  	s13 =	sadd.s32 $0xC2E00, s0;
	s14 =	sadd.s32 $0xE2E00, s0;
	s7 =	ssub.s32 $0x20, s2  }
0xa: {  	s3 =	sadd.s32 $0x2E00, s0;
	[sflag:s9] =	ssyncpa.u1 $0x0;
	s8 =	sand.u32 $0x18, s7  }
.Ltmp0:
0xb: {  	p0 =	seq.s32 s8, $0x0;
	s8 =	simm.s32 $0x0;
	(pc) =	sbr.rel .LBB1_1-.Ltmp0, $4  }
0xc: {  	s9 =	sadd.s32 $0x42E00, s0;
	s5 =	sor.u32 s1, s4;
	s8 =	simm.s32 @!p0 $0x20  }
0xd: {  	s4 =	sadd.s32 $0x402E00, s0;
	s5 =	sshrl.u32 s5, $0x2;
	s7 =	sadd.s32 s7, s8  }
0xe: {  	s21 =	smov.u32 s2;
	s20 =	smov.u32 s5;
	s7 =	sand.u32 $0x60, s7  }
0xf: {  	p0 =	por $0x0, $0x0;
	s8 =	sadd.s32 $0x22E00, s0;
	s15 =	sor.u32 $0x1, s7  }
.LBB1_7:
0x10: {  	s0 =	sadd.s32 $0x1, s18  }
0x11: {  	s1 =	sadd.s32 $0x20, s19;
	s16 =	smov.u32 s19;
	p2 =	sgt.s32 s0, $0xF  }
0x12: {  	s16 =	smov.u32 @p2 s1  }
0x13: {  	s17 =	smov.u32 s20;
	s1 =	sadd.s32 $0x8, s20;
	p3 =	sgt.s32 s16, $0x1F  }
0x14: {  	s17 =	smov.u32 @p3 s1  }
0x15: {  	s27 =	smov.u32 s21;
	s1 =	sadd.s32 $0x20, s21;
	p4 =	sgt.s32 s17, $0xF  }
0x16: {  	p1 =	slt.u32 s23, $0x2;
	s27 =	smov.u32 @p4 s1  }
0x17: {  	s22 =	smov.u32 s18;
	s0 =	simm.s32 @p2 $0x0;
	p2 =	sgt.s32 s27, $0x1F  }
0x18: {  	s24 =	smov.u32 s19;
	s27 =	smov.u32 @p2 s2;
	p2 =	sne.s32 s23, s15  }
.Ltmp1:
0x19: {  	s25 =	smov.u32 s20;
	s26 =	smov.u32 s21;
	(pc) =	sbr.rel @!p2 .LBB1_8-.Ltmp1, $4  }
0x1a: {  	p0 =	por !p0, !p0;
	s18 =	smov.u32 s0;
	s1 =	simm.s32 @!p1 $0x2  }
0x1b: {  	s16 =	simm.s32 @p3 $0x0;
	s17 =	smov.u32 @p4 s5;
	_ =	swait.ge @!p1 [sflag:s1], $0x4000  }
0x1c: {  	s19 =	smov.u32 s16;
	s20 =	smov.u32 s17;
	[sflag:s1] =	ssyncset.done @!p1 $0x0  }
0x1d: {  	s23 =	sadd.s32 $0x1, s23;
	[sflag:s1] =	ssyncadd.s32 @!p1 $0xFFFFC000;
	s21 =	smov.u32 s27  }
.LBB1_1:
0x1e: {  	p1 =	sge.u32 s23, s7  }
0x1f: {  	s27 =	sshll.u32 @!p1 s21, $0x11;
	s28 =	sshll.u32 @!p1 s20, $0xD  }
0x20: {  	s0 =	sxor.u32 @!p1 $0xFFFFFFFF, s23;
	s30 =	sshll.u32 @!p1 s19, $0x8;
	s29 =	sadd.s32 @!p1 s27, s28  }
0x21: {  	s31 =	sshll.u32 @!p1 s18, $0x4;
	s1 =	simm.s32 @!p1 $0x40;
	s29 =	sadd.s32 @!p1 s3, s29  }
0x22: {  	s0 =	sshll.u32 @!p1 s0, $0xE;
	s31 =	sand.u32 @!p1 $0xF0, s31;
	s29 =	sadd.s32 @!p1 s30, s29  }
0x23: {  	s16 =	simm.s32 @!p1 $0x800;
	s0 =	sand.u32 @!p1 $0x4000, s0;
	s29 =	sadd.s32 @!p1 s31, s29  }
0x24: {  	[tilespmem:s0], [sflag:$0x1] =	stream.strided.gather @!p1 [hbm4b:s29+s1], $0x800, s16, s1, $0x38;
	[tilespmem:$0x10000] =	vst v63  }
0x25: {  	s29 =	sadd.s32 @!p1 s27, s8  }
0x26: {  	s29 =	sadd.s32 @!p1 s28, s29  }
0x27: {  	s29 =	sadd.s32 @!p1 s30, s29  }
0x28: {  	s17 =	sor.u32 @!p1 $0x800, s0;
	s29 =	sadd.s32 @!p1 s31, s29  }
0x29: {  	[tilespmem:s17], [sflag:$0x1] =	stream.strided.gather @!p1 [hbm4b:s29+s1], $0x800, s16, s1, $0x38;
	[tilespmem:$0x10000] =	vst v63  }
0x2a: {  	s17 =	sadd.s32 @!p1 s27, s9  }
0x2b: {  	s17 =	sadd.s32 @!p1 s28, s17  }
0x2c: {  	s17 =	sadd.s32 @!p1 s30, s17  }
0x2d: {  	s29 =	sor.u32 @!p1 $0x1000, s0;
	s17 =	sadd.s32 @!p1 s31, s17  }
0x2e: {  	[tilespmem:s29], [sflag:$0x1] =	stream.strided.gather @!p1 [hbm4b:s17+s1], $0x800, s16, s1, $0x38;
	[tilespmem:$0x10000] =	vst v63  }
0x2f: {  	s17 =	sadd.s32 @!p1 s27, s10  }
0x30: {  	s17 =	sadd.s32 @!p1 s28, s17  }
0x31: {  	s17 =	sadd.s32 @!p1 s30, s17  }
0x32: {  	s29 =	sor.u32 @!p1 $0x1800, s0;
	s17 =	sadd.s32 @!p1 s31, s17  }
0x33: {  	[tilespmem:s29], [sflag:$0x1] =	stream.strided.gather @!p1 [hbm4b:s17+s1], $0x800, s16, s1, $0x38;
	[tilespmem:$0x10000] =	vst v63  }
0x34: {  	s17 =	sadd.s32 @!p1 s27, s11  }
0x35: {  	s17 =	sadd.s32 @!p1 s28, s17  }
0x36: {  	s17 =	sadd.s32 @!p1 s30, s17  }
0x37: {  	s29 =	sor.u32 @!p1 $0x2000, s0;
	s17 =	sadd.s32 @!p1 s31, s17  }
0x38: {  	[tilespmem:s29], [sflag:$0x1] =	stream.strided.gather @!p1 [hbm4b:s17+s1], $0x800, s16, s1, $0x38;
	[tilespmem:$0x10000] =	vst v63  }
0x39: {  	s17 =	sadd.s32 @!p1 s27, s12  }
0x3a: {  	s17 =	sadd.s32 @!p1 s28, s17  }
0x3b: {  	s17 =	sadd.s32 @!p1 s30, s17  }
0x3c: {  	s29 =	sor.u32 @!p1 $0x2800, s0;
	s17 =	sadd.s32 @!p1 s31, s17  }
0x3d: {  	[tilespmem:s29], [sflag:$0x1] =	stream.strided.gather @!p1 [hbm4b:s17+s1], $0x800, s16, s1, $0x38;
	[tilespmem:$0x10000] =	vst v63  }
0x3e: {  	s17 =	sadd.s32 @!p1 s27, s13  }
0x3f: {  	s17 =	sadd.s32 @!p1 s28, s17  }
0x40: {  	s17 =	sadd.s32 @!p1 s30, s17  }
0x41: {  	s29 =	sor.u32 @!p1 $0x3000, s0;
	s17 =	sadd.s32 @!p1 s31, s17  }
0x42: {  	[tilespmem:s29], [sflag:$0x1] =	stream.strided.gather @!p1 [hbm4b:s17+s1], $0x800, s16, s1, $0x38;
	[tilespmem:$0x10000] =	vst v63  }
0x43: {  	s17 =	sadd.s32 @!p1 s27, s14  }
0x44: {  	s17 =	sadd.s32 @!p1 s28, s17  }
0x45: {  	s17 =	sadd.s32 @!p1 s30, s17  }
0x46: {  	s0 =	sor.u32 @!p1 $0x3800, s0;
	s17 =	sadd.s32 @!p1 s31, s17;
	s31 =	sadd.s32 $0xFFFFFFFF, s23  }
0x47: {  	[tilespmem:s0], [sflag:$0x1] =	stream.strided.gather @!p1 [hbm4b:s17+s1], $0x800, s16, s1, $0x38;
	[tilespmem:$0x10000] =	vst v63  }
0x48: {  	p1 =	sge.u32 s31, s7  }
.Ltmp2:
0x49: {  	_ = 	snop;
	(pc) =	sbr.rel @p1 .LBB1_7-.Ltmp2, $1  }
0x4a: {  	_ =	sdelay $0x3  }
0x4b: {  	s0 =	simm.s32 $0x1;
	_ =	swait.ge [sflag:s6], $0x4000;
	s1 =	sshll.u32 s23, $0xE  }
0x4c: {  	s30 =	simm.s32 $0x0;
	s0 =	simm.s32 @!p0 $0x0;
	[sflag:s6] =	ssyncset.done $0x0  }
0x4d: {  	s31 =	sand.u32 $0x4000, s1;
	s0 =	sshll.u32 s0, $0xE;
	[sflag:s6] =	ssyncadd.s32 $0xFFFFC000  }
0x4e: {  	s27 =	sor.u32 $0x8000, s31;
	s28 =	sor.u32 $0x20, s0;
	s29 =	sor.u32 $0x8030, s0  }
.LBB1_3:
0x4f: {  	v1 =	vmov s28;
	_ =	sdelay $0x3  }
0x50: {  	s31 =	simm.s32 $0x0  }
0x51: {  	v3 =	vld.idx.msk [tilespmem:v1+s31+$0x10 ss:$0x1], $0xffff  }
0x52: {  	v0 =	vmov s29;
	v4 =	vld.idx.msk [tilespmem:v1+s31+$0xFFFFFFE0 ss:$0x1], $0xffff  }
0x53: {  	v2 =	vld.idx.msk [tilespmem:v1+s31+$0xFFFFFFF0 ss:$0x1], $0xffff  }
0x54: {  	s0 =	simm.s32 $0x100;
	v5 =	vld.idx.msk [tilespmem:v1+s31+$0x0 ss:$0x1], $0xffff  }
.LBB1_4:
0x55: {  	p1 =	sne.s32 s0, $0x1F00  }
.Ltmp3:
0x56: {  	s1 =	sshra.s32 s0, $0x2;
	s0 =	sadd.s32 $0x100, s0;
	(pc) =	sbr.rel @p1 .LBB1_4-.Ltmp3, $4  }
0x57: {  	[tilespmem:v0+s31+$0x0 ss:$0x1] =	vst.idx.msk $0xffff, v3;
	v3 =	vld.idx.msk [tilespmem:v1+s1+$0x10 ss:$0x1], $0xffff  }
0x58: {  	[tilespmem:v0+s31+$0xFFFFFFD0 ss:$0x1] =	vst.idx.msk $0xffff, v4;
	v4 =	vld.idx.msk [tilespmem:v1+s1+$0xFFFFFFE0 ss:$0x1], $0xffff  }
0x59: {  	[tilespmem:v0+s31+$0xFFFFFFE0 ss:$0x1] =	vst.idx.msk $0xffff, v2;
	v2 =	vld.idx.msk [tilespmem:v1+s1+$0xFFFFFFF0 ss:$0x1], $0xffff  }
0x5a: {  	[tilespmem:v0+s31+$0xFFFFFFF0 ss:$0x1] =	vst.idx.msk $0xffff, v5;
	v5 =	vld.idx.msk [tilespmem:v1+s1+$0x0 ss:$0x1], $0xffff;
	s31 =	smov.u32 s1  }
0x5b: {  	_ = 	snop  }
0x5c: {  	s30 =	sadd.s32 $0x1, s30  }
0x5d: {  	p1 =	sne.s32 s30, $0x8  }
.Ltmp4:
0x5e: {  	_ = 	snop;
	(pc) =	sbr.rel @p1 .LBB1_3-.Ltmp4, $4  }
0x5f: {  	[tilespmem:v0+s31+$0x0 ss:$0x1] =	vst.idx.msk $0xffff, v3  }
0x60: {  	[tilespmem:v0+s31+$0xFFFFFFD0 ss:$0x1] =	vst.idx.msk $0xffff, v4  }
0x61: {  	[tilespmem:v0+s31+$0xFFFFFFE0 ss:$0x1] =	vst.idx.msk $0xffff, v2  }
0x62: {  	s28 =	sadd.s32 $0x800, s28;
	s29 =	sadd.s32 $0x800, s29;
	[tilespmem:v0+s31+$0xFFFFFFF0 ss:$0x1] =	vst.idx.msk $0xffff, v5  }
0x63: {  	s0 =	sshll.u32 s26, $0x11  }
.Ltmp5:
0x64: {  	s1 =	sshll.u32 s25, $0x8;
	s0 =	sadd.s32 s4, s0;
	(pc) =	sbr.rel .LBB1_7-.Ltmp5, $4  }
0x65: {  	s16 =	sshll.u32 s24, $0xC;
	s17 =	sshll.u32 s22, $0x4;
	s0 =	sadd.s32 s1, s0  }
0x66: {  	s29 =	sand.u32 $0xF0, s17;
	s0 =	sadd.s32 s16, s0  }
0x67: {  	s30 =	simm.s32 $0x40;
	s31 =	simm.s32 $0x8000;
	s0 =	sadd.s32 s29, s0  }
0x68: {  	[hbm4b:s0+s30] =	stream.strided.scatter [tilespmem:s27], [sflag:$0x2], $0x4000, s31, s30, $0x38;
	[tilespmem:$0x10000] =	vst v63  }
.LBB1_8:
0x69: {  	_ =	sfence.sel $0x180000  }
0x6a: {  	s0 =	simm.s32 $0x1;
	[bflag:$0x0] =	sbarrier.arrive $0xFFFF  }
0x6b: {  	s30 =	simm.s32 $0x2;
	[sflag:s0] =	ssyncpa.u1 $0x1  }
0x6c: {  	[sflag:s30] =	ssyncpa.u1 $0x1  }
0x6d: {  	_ =	strace $0x90000047  }
0x6e: {  	s31 =	stileid.u32;
	[bflag:$0x2] =	sbarrier.arrive $0xFFFF  }
0x6f: {  	p0 =	sne.s32 s31, $0x0;
	s0 =	rddreg [dreg:$0x1]  }
0x70: {  	s0 =	sadd.s32 @!p0 $0x100000, s0  }
0x71: {  	[sflag:s0] =	ssyncadd.tile.s32 @!p0 $0x1;
	_ =	shalt  }
.Lfunc_end1:
_tile_overlayer_lowered:
.L_overlay_start_2:
0x72: {  	(tag) =	ssettag $0x2  }
0x73: {  	s0 =	rddreg [dreg:$0x0];
	s2 =	stileid.u32  }
0x74: {  	s1 =	rddreg [dreg:$0x1];
	p0 =	sne.s32 s2, $0x0  }
0x75: {  	s3 =	rddreg [dreg:$0x2];
	[bflag:$0x3] =	sbarrier.arrive $0xFFFF;
	s2 =	simm.s32 @!p0 $0x1C01  }
0x76: {  	[timem:s3], [sflag:s2] =	dma.local @!p0 [hbm:s0], s1  }
0x77: {  	s0 =	simm.s32 @!p0 $0x1  }
0x78: {  	_ =	swait.ge @!p0 [sflag:s0], s1  }
0x79: {  	s1 =	ssub.s32 @!p0 $0x0, s1;
	[sflag:s0] =	ssyncset.done @!p0 $0x0  }
0x7a: {  	[sflag:s0] =	ssyncadd.s32 @!p0 s1  }
0x7b: {  	[bflag:$0x3] =	sbarrier.arrive $0xFFFF  }
0x7c: {  	_ =	shalt  }

</sc_bundles>
